<compile_context>
chip_gen: v7x
topology: tpu7x:2x2x1
jax: 0.10.2.dev20260603
libtpu: 0.0.44.dev20260713+nightly
codegen_flags: <defaults>
</compile_context>

<pallas_src>
import jax
import jax.numpy as jnp
from jax import lax
from jax.experimental import pallas as pl
from jax.experimental.pallas import tpu as pltpu
from jax.experimental.pallas import tpu_sc as plsc

N_NODES = 10000
N_EDGES = 320000
F = 128

NUM_CORES = 2
NUM_SUBCORES = 16
NW = NUM_CORES * NUM_SUBCORES
K = 128
CH_PER_W = 80
TOT_CH = NW * CH_PER_W
PAD_E = TOT_CH * K - N_EDGES
STRIP = 632
ACC_ROWS = STRIP * NUM_SUBCORES


def _sc_body(x_hbm, src_hbm, dst_hbm, out_hbm, accum, src_idx, dst_idx, rows, sem):
    cid = lax.axis_index("c")
    sid = lax.axis_index("s")
    wid = cid * NUM_SUBCORES + sid

    zeros16 = jnp.zeros((16,), jnp.float32)

    def zero_row(r, carry):
        for c in range(F // 16):
            rows[r, pl.ds(c * 16, 16)] = zeros16
        return carry

    lax.fori_loop(0, K, zero_row, 0)
    base = sid * STRIP
    for off, length in ((0, 128), (128, 128), (256, 128), (384, 128), (512, 120)):
        pltpu.sync_copy(rows.at[pl.ds(0, length)],
                        accum.at[pl.ds(base + off, length)])
    plsc.subcore_barrier()

    pltpu.sync_copy(src_hbm.at[pl.ds(wid * CH_PER_W, CH_PER_W)], src_idx)
    pltpu.sync_copy(dst_hbm.at[pl.ds(wid * CH_PER_W, CH_PER_W)], dst_idx)

    def edge_chunk(j, carry):
        pltpu.async_copy(x_hbm.at[src_idx.at[j]], rows, sem).wait()
        pltpu.sync_copy(rows, accum.at[dst_idx.at[j]], add=True)
        return carry

    lax.fori_loop(0, CH_PER_W, edge_chunk, 0)
    plsc.subcore_barrier()

    pltpu.sync_copy(accum.at[pl.ds(base, STRIP)],
                    out_hbm.at[cid, pl.ds(base, STRIP)])


_sc_aggregate = pl.kernel(
    _sc_body,
    out_type=jax.ShapeDtypeStruct((NUM_CORES, ACC_ROWS, F), jnp.float32),
    mesh=plsc.VectorSubcoreMesh(core_axis_name="c", subcore_axis_name="s"),
    scratch_types=[
        pltpu.VMEM_SHARED((ACC_ROWS, F), jnp.float32),
        pltpu.VMEM((CH_PER_W, K), jnp.int32),
        pltpu.VMEM((CH_PER_W, K), jnp.int32),
        pltpu.VMEM((K, F), jnp.float32),
        pltpu.SemaphoreType.DMA,
    ],
)


def _tc_matmul_body(p_ref, w_ref, b_ref, o_ref):
    s = p_ref[0] + p_ref[1]
    o_ref[...] = jnp.dot(s, w_ref[...],
                         preferred_element_type=jnp.float32) + b_ref[...]


BM = 1000

_tc_matmul = pl.pallas_call(
    _tc_matmul_body,
    grid=(N_NODES // BM,),
    in_specs=[
        pl.BlockSpec((NUM_CORES, BM, F), lambda i: (0, i, 0)),
        pl.BlockSpec((F, F), lambda i: (0, 0)),
        pl.BlockSpec((1, F), lambda i: (0, 0)),
    ],
    out_specs=pl.BlockSpec((BM, F), lambda i: (i, 0)),
    out_shape=jax.ShapeDtypeStruct((N_NODES, F), jnp.float32),
)


@jax.jit
def kernel(x, edge_index, weight, bias):
    src = edge_index[0]
    dst = edge_index[1]
    src_p = jnp.concatenate(
        [src, jnp.zeros((PAD_E,), jnp.int32)]).reshape(TOT_CH, K)
    dst_p = jnp.concatenate(
        [dst, jnp.full((PAD_E,), N_NODES, jnp.int32)]).reshape(TOT_CH, K)
    partial = _sc_aggregate(x, src_p, dst_p)
    return _tc_matmul(partial, weight, bias.reshape(1, F))

# --- scband reference (transcript-rebuilt; emitter-appended) ---
"""Pipeline reference for scband-graph-convolution-38036230373745 (READ-ONLY COPY).

The authoritative reference and input builder live on the scoring server;
editing this copy changes nothing except your own understanding.
"""

import jax, jax.numpy as jnp
import numpy as np

N_NODES = 10000
N_EDGES = 320000
IN_FEATURES = 128
OUT_FEATURES = 128


def setup_inputs(seed: int = 0) -> dict:
    key = jax.random.key(seed)
    k1, k2, k3, k4 = jax.random.split(key, 4)
    x = jax.random.normal(k1, (N_NODES, IN_FEATURES), dtype=jnp.float32)
    edge_index = jax.random.randint(k2, (2, N_EDGES), 0, N_NODES, dtype=jnp.int32)
    stdv = 1.0 / np.sqrt(OUT_FEATURES)
    weight = jax.random.uniform(k3, (IN_FEATURES, OUT_FEATURES), minval=-stdv, maxval=stdv, dtype=jnp.float32)
    bias = jax.random.uniform(k4, (OUT_FEATURES,), minval=-stdv, maxval=stdv, dtype=jnp.float32)
    return {"x": x, "edge_index": edge_index, "weight": weight, "bias": bias}


def reference(x, edge_index, weight, bias):
    # support = input @ W  (dense GEMM)
    support = x @ weight
    # output = spmm(adj, support): adj is the unweighted sparse adjacency with
    # nonzeros at (dst, src) for each edge -> gather source rows, scatter-add to dst.
    src = edge_index[0]
    dst = edge_index[1]
    msgs = jnp.take(support, src, axis=0)
    output = jax.ops.segment_sum(msgs, dst, num_segments=x.shape[0])
    return output + bias

if __name__ == "__main__":
    import jax
    _d = setup_inputs()
    print(jax.jit(kernel)(*tuple(_d.values())))

</pallas_src>

<mosaic_0001>
#map = affine_map<(d0, d1) -> (0, 0)>
#map1 = affine_map<(d0, d1) -> (0, 0, 0)>
module attributes {stable_mosaic.version = 14 : i64} {
  func.func @_sc_body(%arg0: i32, %arg1: i32, %arg2: memref<10000x128xf32, #tpu.memory_space<hbm>>, %arg3: memref<2560x128xi32, #tpu.memory_space<hbm>>, %arg4: memref<2560x128xi32, #tpu.memory_space<hbm>>, %arg5: memref<2x10112x128xf32, #tpu.memory_space<hbm>>, %arg6: memref<10112x128xf32, #tpu.memory_space<vmem_shared>>, %arg7: memref<80x128xi32, #tpu.memory_space<vmem>>, %arg8: memref<80x128xi32, #tpu.memory_space<vmem>>, %arg9: memref<128x128xf32, #tpu.memory_space<vmem>>, %arg10: memref<!tpu.dma_semaphore, #tpu.memory_space<semaphore_mem>>) attributes {dimension_semantics = [#tpu.dimension_semantics<core_parallel>, #tpu.dimension_semantics<subcore_parallel>], iteration_bounds = array<i64: 2, 16>, scalar_prefetch = 0 : i64, scratch_operands = 5 : i64, tpu.core_type = #tpu.core_type<sc_vector_subcore>, window_params = [{transform_indices = #map}, {transform_indices = #map}, {transform_indices = #map}, {transform_indices = #map1}]} {
    %mul3A = arith.constant 16 : i32
    %mul3A_0 = arith.muli %arg0, %mul3A : i32
    %add3A = arith.addi %mul3A_0, %arg1 : i32
    %broadcast_in_dim3A = arith.constant 0.000000e+00 : f32
    %broadcast_in_dim3A_1 = vector.broadcast %broadcast_in_dim3A : f32 to vector<16xf32>
    %scan3A = arith.constant 0 : i32
    %scan3A_2 = arith.constant 0 : i32
    %scan3A_3 = arith.constant 128 : i32
    %scan3A_4 = arith.addi %scan3A_2, %scan3A_3 : i32
    %scan3A_5 = arith.constant 1 : i32
    scf.for %scan3A_30 = %scan3A_2 to %scan3A_4 step %scan3A_5  : i32 {
      %swap3A = arith.index_cast %scan3A_30 : i32 to index
      %swap3A_31 = arith.constant 0 : index
      %swap3A_32 = tpu.vector_load %arg9[%swap3A, %swap3A_31] {strides = array<i32>} : memref<128x128xf32, #tpu.memory_space<vmem>>, vector<1x16xf32>,
      %swap3A_33 = vector.shape_cast %swap3A_32 : vector<1x16xf32> to vector<16xf32>
      %swap3A_34 = vector.shape_cast %broadcast_in_dim3A_1 : vector<16xf32> to vector<1x16xf32>
      tpu.vector_store %arg9[%swap3A, %swap3A_31], %swap3A_34 {strides = array<i32>} : memref<128x128xf32, #tpu.memory_space<vmem>>, vector<1x16xf32>,
      %swap3A_35 = arith.index_cast %scan3A_30 : i32 to index
      %swap3A_36 = arith.constant 16 : index
      %swap3A_37 = tpu.vector_load %arg9[%swap3A_35, %swap3A_36] {strides = array<i32>} : memref<128x128xf32, #tpu.memory_space<vmem>>, vector<1x16xf32>,
      %swap3A_38 = vector.shape_cast %swap3A_37 : vector<1x16xf32> to vector<16xf32>
      %swap3A_39 = vector.shape_cast %broadcast_in_dim3A_1 : vector<16xf32> to vector<1x16xf32>
      tpu.vector_store %arg9[%swap3A_35, %swap3A_36], %swap3A_39 {strides = array<i32>} : memref<128x128xf32, #tpu.memory_space<vmem>>, vector<1x16xf32>,
      %swap3A_40 = arith.index_cast %scan3A_30 : i32 to index
      %swap3A_41 = arith.constant 32 : index
      %swap3A_42 = tpu.vector_load %arg9[%swap3A_40, %swap3A_41] {strides = array<i32>} : memref<128x128xf32, #tpu.memory_space<vmem>>, vector<1x16xf32>,
      %swap3A_43 = vector.shape_cast %swap3A_42 : vector<1x16xf32> to vector<16xf32>
      %swap3A_44 = vector.shape_cast %broadcast_in_dim3A_1 : vector<16xf32> to vector<1x16xf32>
      tpu.vector_store %arg9[%swap3A_40, %swap3A_41], %swap3A_44 {strides = array<i32>} : memref<128x128xf32, #tpu.memory_space<vmem>>, vector<1x16xf32>,
      %swap3A_45 = arith.index_cast %scan3A_30 : i32 to index
      %swap3A_46 = arith.constant 48 : index
      %swap3A_47 = tpu.vector_load %arg9[%swap3A_45, %swap3A_46] {strides = array<i32>} : memref<128x128xf32, #tpu.memory_space<vmem>>, vector<1x16xf32>,
      %swap3A_48 = vector.shape_cast %swap3A_47 : vector<1x16xf32> to vector<16xf32>
      %swap3A_49 = vector.shape_cast %broadcast_in_dim3A_1 : vector<16xf32> to vector<1x16xf32>
      tpu.vector_store %arg9[%swap3A_45, %swap3A_46], %swap3A_49 {strides = array<i32>} : memref<128x128xf32, #tpu.memory_space<vmem>>, vector<1x16xf32>,
      %swap3A_50 = arith.index_cast %scan3A_30 : i32 to index
      %swap3A_51 = arith.constant 64 : index
      %swap3A_52 = tpu.vector_load %arg9[%swap3A_50, %swap3A_51] {strides = array<i32>} : memref<128x128xf32, #tpu.memory_space<vmem>>, vector<1x16xf32>,
      %swap3A_53 = vector.shape_cast %swap3A_52 : vector<1x16xf32> to vector<16xf32>
      %swap3A_54 = vector.shape_cast %broadcast_in_dim3A_1 : vector<16xf32> to vector<1x16xf32>
      tpu.vector_store %arg9[%swap3A_50, %swap3A_51], %swap3A_54 {strides = array<i32>} : memref<128x128xf32, #tpu.memory_space<vmem>>, vector<1x16xf32>,
      %swap3A_55 = arith.index_cast %scan3A_30 : i32 to index
      %swap3A_56 = arith.constant 80 : index
      %swap3A_57 = tpu.vector_load %arg9[%swap3A_55, %swap3A_56] {strides = array<i32>} : memref<128x128xf32, #tpu.memory_space<vmem>>, vector<1x16xf32>,
      %swap3A_58 = vector.shape_cast %swap3A_57 : vector<1x16xf32> to vector<16xf32>
      %swap3A_59 = vector.shape_cast %broadcast_in_dim3A_1 : vector<16xf32> to vector<1x16xf32>
      tpu.vector_store %arg9[%swap3A_55, %swap3A_56], %swap3A_59 {strides = array<i32>} : memref<128x128xf32, #tpu.memory_space<vmem>>, vector<1x16xf32>,
      %swap3A_60 = arith.index_cast %scan3A_30 : i32 to index
      %swap3A_61 = arith.constant 96 : index
      %swap3A_62 = tpu.vector_load %arg9[%swap3A_60, %swap3A_61] {strides = array<i32>} : memref<128x128xf32, #tpu.memory_space<vmem>>, vector<1x16xf32>,
      %swap3A_63 = vector.shape_cast %swap3A_62 : vector<1x16xf32> to vector<16xf32>
      %swap3A_64 = vector.shape_cast %broadcast_in_dim3A_1 : vector<16xf32> to vector<1x16xf32>
      tpu.vector_store %arg9[%swap3A_60, %swap3A_61], %swap3A_64 {strides = array<i32>} : memref<128x128xf32, #tpu.memory_space<vmem>>, vector<1x16xf32>,
      %swap3A_65 = arith.index_cast %scan3A_30 : i32 to index
      %swap3A_66 = arith.constant 112 : index
      %swap3A_67 = tpu.vector_load %arg9[%swap3A_65, %swap3A_66] {strides = array<i32>} : memref<128x128xf32, #tpu.memory_space<vmem>>, vector<1x16xf32>,
      %swap3A_68 = vector.shape_cast %swap3A_67 : vector<1x16xf32> to vector<16xf32>
      %swap3A_69 = vector.shape_cast %broadcast_in_dim3A_1 : vector<16xf32> to vector<1x16xf32>
      tpu.vector_store %arg9[%swap3A_65, %swap3A_66], %swap3A_69 {strides = array<i32>} : memref<128x128xf32, #tpu.memory_space<vmem>>, vector<1x16xf32>,
    }
    %scan3A_6 = arith.constant 128 : i32
    %mul3A_7 = arith.constant 632 : i32
    %mul3A_8 = arith.muli %arg1, %mul3A_7 : i32
    %add3A_9 = arith.constant 0 : i32
    %add3A_10 = arith.addi %mul3A_8, %add3A_9 : i32
    "tpu.region"() ({
      %run_scoped3A = tpu.sem_alloc : memref<!tpu.dma_semaphore, #tpu.memory_space<semaphore_mem>>
      %dma_start3A = arith.constant 0 : i32
      %dma_start3A_30 = arith.constant 0 : i32
      %dma_start3A_31 = tpu.memref_slice %arg9[%dma_start3A, %dma_start3A_30] : memref<128x128xf32, #tpu.memory_space<vmem>> -> memref<128x128xf32, #tpu.memory_space<vmem>>
      %dma_start3A_32 = arith.constant 0 : i32
      %dma_start3A_33 = tpu.memref_slice %arg6[%add3A_10, %dma_start3A_32] : memref<10112x128xf32, #tpu.memory_space<vmem_shared>> -> memref<128x128xf32, #tpu.memory_space<vmem_shared>>
      %dma_start3A_34 = arith.constant 0 : i32
      %dma_start3A_35 = tpu.memref_slice %arg6[%add3A_10, %dma_start3A_34] : memref<10112x128xf32, #tpu.memory_space<vmem_shared>> -> memref<128x128xf32, #tpu.memory_space<vmem_shared>>
      %dma_start3A_36 = arith.constant 0 : i32
      %dma_start3A_37 = arith.constant 0 : i32
      %dma_start3A_38 = tpu.memref_slice %arg9[%dma_start3A_36, %dma_start3A_37] : memref<128x128xf32, #tpu.memory_space<vmem>> -> memref<128x128xf32, #tpu.memory_space<vmem>>
      tpu.enqueue_dma source(%dma_start3A_38 : memref<128x128xf32, #tpu.memory_space<vmem>>) target(%dma_start3A_35 : memref<128x128xf32, #tpu.memory_space<vmem_shared>>) target_semaphore(%run_scoped3A : memref<!tpu.dma_semaphore, #tpu.memory_space<semaphore_mem>>)
      %dma_wait3A = arith.constant 0 : i32
      %dma_wait3A_39 = arith.constant 0 : i32
      %dma_wait3A_40 = tpu.memref_slice %arg9[%dma_wait3A, %dma_wait3A_39] : memref<128x128xf32, #tpu.memory_space<vmem>> -> memref<128x128xf32, #tpu.memory_space<vmem>>
      %dma_wait3A_41 = arith.constant 0 : i32
      %dma_wait3A_42 = tpu.memref_slice %arg6[%add3A_10, %dma_wait3A_41] : memref<10112x128xf32, #tpu.memory_space<vmem_shared>> -> memref<128x128xf32, #tpu.memory_space<vmem_shared>>
      %dma_wait3A_43 = arith.constant 0 : i32
      %dma_wait3A_44 = tpu.memref_slice %arg6[%add3A_10, %dma_wait3A_43] : memref<10112x128xf32, #tpu.memory_space<vmem_shared>> -> memref<128x128xf32, #tpu.memory_space<vmem_shared>>
      %dma_wait3A_45 = arith.constant 0 : i32
      %dma_wait3A_46 = arith.constant 0 : i32
      %dma_wait3A_47 = tpu.memref_slice %arg9[%dma_wait3A_45, %dma_wait3A_46] : memref<128x128xf32, #tpu.memory_space<vmem>> -> memref<128x128xf32, #tpu.memory_space<vmem>>
      tpu.wait_dma2 semaphore(%run_scoped3A : memref<!tpu.dma_semaphore, #tpu.memory_space<semaphore_mem>>) src(%dma_wait3A_47 : memref<128x128xf32, #tpu.memory_space<vmem>>) dst(%dma_wait3A_44 : memref<128x128xf32, #tpu.memory_space<vmem_shared>>)
      tpu.yield
    }) : () -> ()
    %add3A_11 = arith.constant 128 : i32
    %add3A_12 = arith.addi %mul3A_8, %add3A_11 : i32
    "tpu.region"() ({
      %run_scoped3A = tpu.sem_alloc : memref<!tpu.dma_semaphore, #tpu.memory_space<semaphore_mem>>
      %dma_start3A = arith.constant 0 : i32
      %dma_start3A_30 = arith.constant 0 : i32
      %dma_start3A_31 = tpu.memref_slice %arg9[%dma_start3A, %dma_start3A_30] : memref<128x128xf32, #tpu.memory_space<vmem>> -> memref<128x128xf32, #tpu.memory_space<vmem>>
      %dma_start3A_32 = arith.constant 0 : i32
      %dma_start3A_33 = tpu.memref_slice %arg6[%add3A_12, %dma_start3A_32] : memref<10112x128xf32, #tpu.memory_space<vmem_shared>> -> memref<128x128xf32, #tpu.memory_space<vmem_shared>>
      %dma_start3A_34 = arith.constant 0 : i32
      %dma_start3A_35 = tpu.memref_slice %arg6[%add3A_12, %dma_start3A_34] : memref<10112x128xf32, #tpu.memory_space<vmem_shared>> -> memref<128x128xf32, #tpu.memory_space<vmem_shared>>
      %dma_start3A_36 = arith.constant 0 : i32
      %dma_start3A_37 = arith.constant 0 : i32
      %dma_start3A_38 = tpu.memref_slice %arg9[%dma_start3A_36, %dma_start3A_37] : memref<128x128xf32, #tpu.memory_space<vmem>> -> memref<128x128xf32, #tpu.memory_space<vmem>>
      tpu.enqueue_dma source(%dma_start3A_38 : memref<128x128xf32, #tpu.memory_space<vmem>>) target(%dma_start3A_35 : memref<128x128xf32, #tpu.memory_space<vmem_shared>>) target_semaphore(%run_scoped3A : memref<!tpu.dma_semaphore, #tpu.memory_space<semaphore_mem>>)
      %dma_wait3A = arith.constant 0 : i32
      %dma_wait3A_39 = arith.constant 0 : i32
      %dma_wait3A_40 = tpu.memref_slice %arg9[%dma_wait3A, %dma_wait3A_39] : memref<128x128xf32, #tpu.memory_space<vmem>> -> memref<128x128xf32, #tpu.memory_space<vmem>>
      %dma_wait3A_41 = arith.constant 0 : i32
      %dma_wait3A_42 = tpu.memref_slice %arg6[%add3A_12, %dma_wait3A_41] : memref<10112x128xf32, #tpu.memory_space<vmem_shared>> -> memref<128x128xf32, #tpu.memory_space<vmem_shared>>
      %dma_wait3A_43 = arith.constant 0 : i32
      %dma_wait3A_44 = tpu.memref_slice %arg6[%add3A_12, %dma_wait3A_43] : memref<10112x128xf32, #tpu.memory_space<vmem_shared>> -> memref<128x128xf32, #tpu.memory_space<vmem_shared>>
      %dma_wait3A_45 = arith.constant 0 : i32
      %dma_wait3A_46 = arith.constant 0 : i32
      %dma_wait3A_47 = tpu.memref_slice %arg9[%dma_wait3A_45, %dma_wait3A_46] : memref<128x128xf32, #tpu.memory_space<vmem>> -> memref<128x128xf32, #tpu.memory_space<vmem>>
      tpu.wait_dma2 semaphore(%run_scoped3A : memref<!tpu.dma_semaphore, #tpu.memory_space<semaphore_mem>>) src(%dma_wait3A_47 : memref<128x128xf32, #tpu.memory_space<vmem>>) dst(%dma_wait3A_44 : memref<128x128xf32, #tpu.memory_space<vmem_shared>>)
      tpu.yield
    }) : () -> ()
    %add3A_13 = arith.constant 256 : i32
    %add3A_14 = arith.addi %mul3A_8, %add3A_13 : i32
    "tpu.region"() ({
      %run_scoped3A = tpu.sem_alloc : memref<!tpu.dma_semaphore, #tpu.memory_space<semaphore_mem>>
      %dma_start3A = arith.constant 0 : i32
      %dma_start3A_30 = arith.constant 0 : i32
      %dma_start3A_31 = tpu.memref_slice %arg9[%dma_start3A, %dma_start3A_30] : memref<128x128xf32, #tpu.memory_space<vmem>> -> memref<128x128xf32, #tpu.memory_space<vmem>>
      %dma_start3A_32 = arith.constant 0 : i32
      %dma_start3A_33 = tpu.memref_slice %arg6[%add3A_14, %dma_start3A_32] : memref<10112x128xf32, #tpu.memory_space<vmem_shared>> -> memref<128x128xf32, #tpu.memory_space<vmem_shared>>
      %dma_start3A_34 = arith.constant 0 : i32
      %dma_start3A_35 = tpu.memref_slice %arg6[%add3A_14, %dma_start3A_34] : memref<10112x128xf32, #tpu.memory_space<vmem_shared>> -> memref<128x128xf32, #tpu.memory_space<vmem_shared>>
      %dma_start3A_36 = arith.constant 0 : i32
      %dma_start3A_37 = arith.constant 0 : i32
      %dma_start3A_38 = tpu.memref_slice %arg9[%dma_start3A_36, %dma_start3A_37] : memref<128x128xf32, #tpu.memory_space<vmem>> -> memref<128x128xf32, #tpu.memory_space<vmem>>
      tpu.enqueue_dma source(%dma_start3A_38 : memref<128x128xf32, #tpu.memory_space<vmem>>) target(%dma_start3A_35 : memref<128x128xf32, #tpu.memory_space<vmem_shared>>) target_semaphore(%run_scoped3A : memref<!tpu.dma_semaphore, #tpu.memory_space<semaphore_mem>>)
      %dma_wait3A = arith.constant 0 : i32
      %dma_wait3A_39 = arith.constant 0 : i32
      %dma_wait3A_40 = tpu.memref_slice %arg9[%dma_wait3A, %dma_wait3A_39] : memref<128x128xf32, #tpu.memory_space<vmem>> -> memref<128x128xf32, #tpu.memory_space<vmem>>
      %dma_wait3A_41 = arith.constant 0 : i32
      %dma_wait3A_42 = tpu.memref_slice %arg6[%add3A_14, %dma_wait3A_41] : memref<10112x128xf32, #tpu.memory_space<vmem_shared>> -> memref<128x128xf32, #tpu.memory_space<vmem_shared>>
      %dma_wait3A_43 = arith.constant 0 : i32
      %dma_wait3A_44 = tpu.memref_slice %arg6[%add3A_14, %dma_wait3A_43] : memref<10112x128xf32, #tpu.memory_space<vmem_shared>> -> memref<128x128xf32, #tpu.memory_space<vmem_shared>>
      %dma_wait3A_45 = arith.constant 0 : i32
      %dma_wait3A_46 = arith.constant 0 : i32
      %dma_wait3A_47 = tpu.memref_slice %arg9[%dma_wait3A_45, %dma_wait3A_46] : memref<128x128xf32, #tpu.memory_space<vmem>> -> memref<128x128xf32, #tpu.memory_space<vmem>>
      tpu.wait_dma2 semaphore(%run_scoped3A : memref<!tpu.dma_semaphore, #tpu.memory_space<semaphore_mem>>) src(%dma_wait3A_47 : memref<128x128xf32, #tpu.memory_space<vmem>>) dst(%dma_wait3A_44 : memref<128x128xf32, #tpu.memory_space<vmem_shared>>)
      tpu.yield
    }) : () -> ()
    %add3A_15 = arith.constant 384 : i32
    %add3A_16 = arith.addi %mul3A_8, %add3A_15 : i32
    "tpu.region"() ({
      %run_scoped3A = tpu.sem_alloc : memref<!tpu.dma_semaphore, #tpu.memory_space<semaphore_mem>>
      %dma_start3A = arith.constant 0 : i32
      %dma_start3A_30 = arith.constant 0 : i32
      %dma_start3A_31 = tpu.memref_slice %arg9[%dma_start3A, %dma_start3A_30] : memref<128x128xf32, #tpu.memory_space<vmem>> -> memref<128x128xf32, #tpu.memory_space<vmem>>
      %dma_start3A_32 = arith.constant 0 : i32
      %dma_start3A_33 = tpu.memref_slice %arg6[%add3A_16, %dma_start3A_32] : memref<10112x128xf32, #tpu.memory_space<vmem_shared>> -> memref<128x128xf32, #tpu.memory_space<vmem_shared>>
      %dma_start3A_34 = arith.constant 0 : i32
      %dma_start3A_35 = tpu.memref_slice %arg6[%add3A_16, %dma_start3A_34] : memref<10112x128xf32, #tpu.memory_space<vmem_shared>> -> memref<128x128xf32, #tpu.memory_space<vmem_shared>>
      %dma_start3A_36 = arith.constant 0 : i32
      %dma_start3A_37 = arith.constant 0 : i32
      %dma_start3A_38 = tpu.memref_slice %arg9[%dma_start3A_36, %dma_start3A_37] : memref<128x128xf32, #tpu.memory_space<vmem>> -> memref<128x128xf32, #tpu.memory_space<vmem>>
      tpu.enqueue_dma source(%dma_start3A_38 : memref<128x128xf32, #tpu.memory_space<vmem>>) target(%dma_start3A_35 : memref<128x128xf32, #tpu.memory_space<vmem_shared>>) target_semaphore(%run_scoped3A : memref<!tpu.dma_semaphore, #tpu.memory_space<semaphore_mem>>)
      %dma_wait3A = arith.constant 0 : i32
      %dma_wait3A_39 = arith.constant 0 : i32
      %dma_wait3A_40 = tpu.memref_slice %arg9[%dma_wait3A, %dma_wait3A_39] : memref<128x128xf32, #tpu.memory_space<vmem>> -> memref<128x128xf32, #tpu.memory_space<vmem>>
      %dma_wait3A_41 = arith.constant 0 : i32
      %dma_wait3A_42 = tpu.memref_slice %arg6[%add3A_16, %dma_wait3A_41] : memref<10112x128xf32, #tpu.memory_space<vmem_shared>> -> memref<128x128xf32, #tpu.memory_space<vmem_shared>>
      %dma_wait3A_43 = arith.constant 0 : i32
      %dma_wait3A_44 = tpu.memref_slice %arg6[%add3A_16, %dma_wait3A_43] : memref<10112x128xf32, #tpu.memory_space<vmem_shared>> -> memref<128x128xf32, #tpu.memory_space<vmem_shared>>
      %dma_wait3A_45 = arith.constant 0 : i32
      %dma_wait3A_46 = arith.constant 0 : i32
      %dma_wait3A_47 = tpu.memref_slice %arg9[%dma_wait3A_45, %dma_wait3A_46] : memref<128x128xf32, #tpu.memory_space<vmem>> -> memref<128x128xf32, #tpu.memory_space<vmem>>
      tpu.wait_dma2 semaphore(%run_scoped3A : memref<!tpu.dma_semaphore, #tpu.memory_space<semaphore_mem>>) src(%dma_wait3A_47 : memref<128x128xf32, #tpu.memory_space<vmem>>) dst(%dma_wait3A_44 : memref<128x128xf32, #tpu.memory_space<vmem_shared>>)
      tpu.yield
    }) : () -> ()
    %add3A_17 = arith.constant 512 : i32
    %add3A_18 = arith.addi %mul3A_8, %add3A_17 : i32
    "tpu.region"() ({
      %run_scoped3A = tpu.sem_alloc : memref<!tpu.dma_semaphore, #tpu.memory_space<semaphore_mem>>
      %dma_start3A = arith.constant 0 : i32
      %dma_start3A_30 = arith.constant 0 : i32
      %dma_start3A_31 = tpu.memref_slice %arg9[%dma_start3A, %dma_start3A_30] : memref<128x128xf32, #tpu.memory_space<vmem>> -> memref<120x128xf32, #tpu.memory_space<vmem>>
      %dma_start3A_32 = arith.constant 0 : i32
      %dma_start3A_33 = tpu.memref_slice %arg6[%add3A_18, %dma_start3A_32] : memref<10112x128xf32, #tpu.memory_space<vmem_shared>> -> memref<120x128xf32, #tpu.memory_space<vmem_shared>>
      %dma_start3A_34 = arith.constant 0 : i32
      %dma_start3A_35 = tpu.memref_slice %arg6[%add3A_18, %dma_start3A_34] : memref<10112x128xf32, #tpu.memory_space<vmem_shared>> -> memref<120x128xf32, #tpu.memory_space<vmem_shared>>
      %dma_start3A_36 = arith.constant 0 : i32
      %dma_start3A_37 = arith.constant 0 : i32
      %dma_start3A_38 = tpu.memref_slice %arg9[%dma_start3A_36, %dma_start3A_37] : memref<128x128xf32, #tpu.memory_space<vmem>> -> memref<120x128xf32, #tpu.memory_space<vmem>>
      tpu.enqueue_dma source(%dma_start3A_38 : memref<120x128xf32, #tpu.memory_space<vmem>>) target(%dma_start3A_35 : memref<120x128xf32, #tpu.memory_space<vmem_shared>>) target_semaphore(%run_scoped3A : memref<!tpu.dma_semaphore, #tpu.memory_space<semaphore_mem>>)
      %dma_wait3A = arith.constant 0 : i32
      %dma_wait3A_39 = arith.constant 0 : i32
      %dma_wait3A_40 = tpu.memref_slice %arg9[%dma_wait3A, %dma_wait3A_39] : memref<128x128xf32, #tpu.memory_space<vmem>> -> memref<120x128xf32, #tpu.memory_space<vmem>>
      %dma_wait3A_41 = arith.constant 0 : i32
      %dma_wait3A_42 = tpu.memref_slice %arg6[%add3A_18, %dma_wait3A_41] : memref<10112x128xf32, #tpu.memory_space<vmem_shared>> -> memref<120x128xf32, #tpu.memory_space<vmem_shared>>
      %dma_wait3A_43 = arith.constant 0 : i32
      %dma_wait3A_44 = tpu.memref_slice %arg6[%add3A_18, %dma_wait3A_43] : memref<10112x128xf32, #tpu.memory_space<vmem_shared>> -> memref<120x128xf32, #tpu.memory_space<vmem_shared>>
      %dma_wait3A_45 = arith.constant 0 : i32
      %dma_wait3A_46 = arith.constant 0 : i32
      %dma_wait3A_47 = tpu.memref_slice %arg9[%dma_wait3A_45, %dma_wait3A_46] : memref<128x128xf32, #tpu.memory_space<vmem>> -> memref<120x128xf32, #tpu.memory_space<vmem>>
      tpu.wait_dma2 semaphore(%run_scoped3A : memref<!tpu.dma_semaphore, #tpu.memory_space<semaphore_mem>>) src(%dma_wait3A_47 : memref<120x128xf32, #tpu.memory_space<vmem>>) dst(%dma_wait3A_44 : memref<120x128xf32, #tpu.memory_space<vmem_shared>>)
      tpu.yield
    }) : () -> ()
    %barrier3A = arith.constant 0 : index
    tpu.barrier barrier_id(%barrier3A)
    %mul3A_19 = arith.constant 80 : i32
    %mul3A_20 = arith.muli %add3A, %mul3A_19 : i32
    "tpu.region"() ({
      %run_scoped3A = tpu.sem_alloc : memref<!tpu.dma_semaphore, #tpu.memory_space<semaphore_mem>>
      %dma_start3A = arith.constant 0 : i32
      %dma_start3A_30 = tpu.memref_slice %arg3[%mul3A_20, %dma_start3A] : memref<2560x128xi32, #tpu.memory_space<hbm>> -> memref<80x128xi32, #tpu.memory_space<hbm>>
      %dma_start3A_31 = arith.constant 0 : i32
      %dma_start3A_32 = tpu.memref_slice %arg3[%mul3A_20, %dma_start3A_31] : memref<2560x128xi32, #tpu.memory_space<hbm>> -> memref<80x128xi32, #tpu.memory_space<hbm>>
      tpu.enqueue_dma source(%dma_start3A_32 : memref<80x128xi32, #tpu.memory_space<hbm>>) target(%arg7 : memref<80x128xi32, #tpu.memory_space<vmem>>) target_semaphore(%run_scoped3A : memref<!tpu.dma_semaphore, #tpu.memory_space<semaphore_mem>>)
      %dma_wait3A = arith.constant 0 : i32
      %dma_wait3A_33 = tpu.memref_slice %arg3[%mul3A_20, %dma_wait3A] : memref<2560x128xi32, #tpu.memory_space<hbm>> -> memref<80x128xi32, #tpu.memory_space<hbm>>
      %dma_wait3A_34 = arith.constant 0 : i32
      %dma_wait3A_35 = tpu.memref_slice %arg3[%mul3A_20, %dma_wait3A_34] : memref<2560x128xi32, #tpu.memory_space<hbm>> -> memref<80x128xi32, #tpu.memory_space<hbm>>
      tpu.wait_dma2 semaphore(%run_scoped3A : memref<!tpu.dma_semaphore, #tpu.memory_space<semaphore_mem>>) src(%dma_wait3A_35 : memref<80x128xi32, #tpu.memory_space<hbm>>) dst(%arg7 : memref<80x128xi32, #tpu.memory_space<vmem>>)
      tpu.yield
    }) : () -> ()
    %mul3A_21 = arith.constant 80 : i32
    %mul3A_22 = arith.muli %add3A, %mul3A_21 : i32
    "tpu.region"() ({
      %run_scoped3A = tpu.sem_alloc : memref<!tpu.dma_semaphore, #tpu.memory_space<semaphore_mem>>
      %dma_start3A = arith.constant 0 : i32
      %dma_start3A_30 = tpu.memref_slice %arg4[%mul3A_22, %dma_start3A] : memref<2560x128xi32, #tpu.memory_space<hbm>> -> memref<80x128xi32, #tpu.memory_space<hbm>>
      %dma_start3A_31 = arith.constant 0 : i32
      %dma_start3A_32 = tpu.memref_slice %arg4[%mul3A_22, %dma_start3A_31] : memref<2560x128xi32, #tpu.memory_space<hbm>> -> memref<80x128xi32, #tpu.memory_space<hbm>>
      tpu.enqueue_dma source(%dma_start3A_32 : memref<80x128xi32, #tpu.memory_space<hbm>>) target(%arg8 : memref<80x128xi32, #tpu.memory_space<vmem>>) target_semaphore(%run_scoped3A : memref<!tpu.dma_semaphore, #tpu.memory_space<semaphore_mem>>)
      %dma_wait3A = arith.constant 0 : i32
      %dma_wait3A_33 = tpu.memref_slice %arg4[%mul3A_22, %dma_wait3A] : memref<2560x128xi32, #tpu.memory_space<hbm>> -> memref<80x128xi32, #tpu.memory_space<hbm>>
      %dma_wait3A_34 = arith.constant 0 : i32
      %dma_wait3A_35 = tpu.memref_slice %arg4[%mul3A_22, %dma_wait3A_34] : memref<2560x128xi32, #tpu.memory_space<hbm>> -> memref<80x128xi32, #tpu.memory_space<hbm>>
      tpu.wait_dma2 semaphore(%run_scoped3A : memref<!tpu.dma_semaphore, #tpu.memory_space<semaphore_mem>>) src(%dma_wait3A_35 : memref<80x128xi32, #tpu.memory_space<hbm>>) dst(%arg8 : memref<80x128xi32, #tpu.memory_space<vmem>>)
      tpu.yield
    }) : () -> ()
    %scan3A_23 = arith.constant 0 : i32
    %scan3A_24 = arith.constant 0 : i32
    %scan3A_25 = arith.constant 80 : i32
    %scan3A_26 = arith.addi %scan3A_24, %scan3A_25 : i32
    %scan3A_27 = arith.constant 1 : i32
    scf.for %scan3A_30 = %scan3A_24 to %scan3A_26 step %scan3A_27  : i32 {
      %dma_start3A = arith.constant 0 : i32
      %dma_start3A_31 = tpu.memref_slice %arg7[%scan3A_30, %dma_start3A] : memref<80x128xi32, #tpu.memory_space<vmem>> -> memref<1x128xi32, #tpu.memory_space<vmem>>
      %dma_start3A_32 = tpu.memref_squeeze %dma_start3A_31 : memref<1x128xi32, #tpu.memory_space<vmem>> -> memref<128xi32, #tpu.memory_space<vmem>>
      %dma_start3A_33 = arith.constant 0 : i32
      %dma_start3A_34 = arith.constant 0 : i32
      %dma_start3A_35 = tpu.memref_slice %arg2[%dma_start3A_33, %dma_start3A_34] : memref<10000x128xf32, #tpu.memory_space<hbm>> -> memref<10000x128xf32, #tpu.memory_space<hbm>>
      tpu.enqueue_indirect_dma source(%dma_start3A_35 : memref<10000x128xf32, #tpu.memory_space<hbm>>) target(%arg9 : memref<128x128xf32, #tpu.memory_space<vmem>>) offsets(%dma_start3A_32 : memref<128xi32, #tpu.memory_space<vmem>>) semaphore(%arg10 : memref<!tpu.dma_semaphore, #tpu.memory_space<semaphore_mem>>)
      %dma_wait3A = arith.constant 0 : i32
      %dma_wait3A_36 = tpu.memref_slice %arg7[%scan3A_30, %dma_wait3A] : memref<80x128xi32, #tpu.memory_space<vmem>> -> memref<1x128xi32, #tpu.memory_space<vmem>>
      %dma_wait3A_37 = tpu.memref_squeeze %dma_wait3A_36 : memref<1x128xi32, #tpu.memory_space<vmem>> -> memref<128xi32, #tpu.memory_space<vmem>>
      %dma_wait3A_38 = arith.constant 0 : i32
      %dma_wait3A_39 = arith.constant 0 : i32
      %dma_wait3A_40 = tpu.memref_slice %arg2[%dma_wait3A_38, %dma_wait3A_39] : memref<10000x128xf32, #tpu.memory_space<hbm>> -> memref<10000x128xf32, #tpu.memory_space<hbm>>
      tpu.wait_indirect_dma semaphore(%arg10 : memref<!tpu.dma_semaphore, #tpu.memory_space<semaphore_mem>>) src(%dma_wait3A_40 : memref<10000x128xf32, #tpu.memory_space<hbm>>) dst(%arg9 : memref<128x128xf32, #tpu.memory_space<vmem>>)
      "tpu.region"() ({
        %run_scoped3A = tpu.sem_alloc : memref<!tpu.dma_semaphore, #tpu.memory_space<semaphore_mem>>
        %dma_start3A_41 = arith.constant 0 : i32
        %dma_start3A_42 = tpu.memref_slice %arg8[%scan3A_30, %dma_start3A_41] : memref<80x128xi32, #tpu.memory_space<vmem>> -> memref<1x128xi32, #tpu.memory_space<vmem>>
        %dma_start3A_43 = tpu.memref_squeeze %dma_start3A_42 : memref<1x128xi32, #tpu.memory_space<vmem>> -> memref<128xi32, #tpu.memory_space<vmem>>
        %dma_start3A_44 = arith.constant 0 : i32
        %dma_start3A_45 = arith.constant 0 : i32
        %dma_start3A_46 = tpu.memref_slice %arg6[%dma_start3A_44, %dma_start3A_45] : memref<10112x128xf32, #tpu.memory_space<vmem_shared>> -> memref<10112x128xf32, #tpu.memory_space<vmem_shared>>
        tpu.enqueue_indirect_dma source(%arg9 : memref<128x128xf32, #tpu.memory_space<vmem>>) target(%dma_start3A_46 : memref<10112x128xf32, #tpu.memory_space<vmem_shared>>) offsets(%dma_start3A_43 : memref<128xi32, #tpu.memory_space<vmem>>) semaphore(%run_scoped3A : memref<!tpu.dma_semaphore, #tpu.memory_space<semaphore_mem>>) {add = true}
        %dma_wait3A_47 = arith.constant 0 : i32
        %dma_wait3A_48 = tpu.memref_slice %arg8[%scan3A_30, %dma_wait3A_47] : memref<80x128xi32, #tpu.memory_space<vmem>> -> memref<1x128xi32, #tpu.memory_space<vmem>>
        %dma_wait3A_49 = tpu.memref_squeeze %dma_wait3A_48 : memref<1x128xi32, #tpu.memory_space<vmem>> -> memref<128xi32, #tpu.memory_space<vmem>>
        %dma_wait3A_50 = arith.constant 0 : i32
        %dma_wait3A_51 = arith.constant 0 : i32
        %dma_wait3A_52 = tpu.memref_slice %arg6[%dma_wait3A_50, %dma_wait3A_51] : memref<10112x128xf32, #tpu.memory_space<vmem_shared>> -> memref<10112x128xf32, #tpu.memory_space<vmem_shared>>
        tpu.wait_indirect_dma semaphore(%run_scoped3A : memref<!tpu.dma_semaphore, #tpu.memory_space<semaphore_mem>>) src(%arg9 : memref<128x128xf32, #tpu.memory_space<vmem>>) dst(%dma_wait3A_52 : memref<10112x128xf32, #tpu.memory_space<vmem_shared>>)
        tpu.yield
      }) : () -> ()
    }
    %scan3A_28 = arith.constant 80 : i32
    %barrier3A_29 = arith.constant 0 : index
    tpu.barrier barrier_id(%barrier3A_29)
    "tpu.region"() ({
      %run_scoped3A = tpu.sem_alloc : memref<!tpu.dma_semaphore, #tpu.memory_space<semaphore_mem>>
      %dma_start3A = arith.constant 0 : i32
      %dma_start3A_30 = tpu.memref_slice %arg5[%arg0, %mul3A_8, %dma_start3A] : memref<2x10112x128xf32, #tpu.memory_space<hbm>> -> memref<1x632x128xf32, #tpu.memory_space<hbm>>
      %dma_start3A_31 = tpu.memref_squeeze %dma_start3A_30 : memref<1x632x128xf32, #tpu.memory_space<hbm>> -> memref<632x128xf32, #tpu.memory_space<hbm>>
      %dma_start3A_32 = arith.constant 0 : i32
      %dma_start3A_33 = tpu.memref_slice %arg6[%mul3A_8, %dma_start3A_32] : memref<10112x128xf32, #tpu.memory_space<vmem_shared>> -> memref<632x128xf32, #tpu.memory_space<vmem_shared>>
      tpu.enqueue_dma source(%dma_start3A_33 : memref<632x128xf32, #tpu.memory_space<vmem_shared>>) target(%dma_start3A_31 : memref<632x128xf32, #tpu.memory_space<hbm>>) target_semaphore(%run_scoped3A : memref<!tpu.dma_semaphore, #tpu.memory_space<semaphore_mem>>)
      %dma_wait3A = arith.constant 0 : i32
      %dma_wait3A_34 = tpu.memref_slice %arg5[%arg0, %mul3A_8, %dma_wait3A] : memref<2x10112x128xf32, #tpu.memory_space<hbm>> -> memref<1x632x128xf32, #tpu.memory_space<hbm>>
      %dma_wait3A_35 = tpu.memref_squeeze %dma_wait3A_34 : memref<1x632x128xf32, #tpu.memory_space<hbm>> -> memref<632x128xf32, #tpu.memory_space<hbm>>
      %dma_wait3A_36 = arith.constant 0 : i32
      %dma_wait3A_37 = tpu.memref_slice %arg6[%mul3A_8, %dma_wait3A_36] : memref<10112x128xf32, #tpu.memory_space<vmem_shared>> -> memref<632x128xf32, #tpu.memory_space<vmem_shared>>
      tpu.wait_dma2 semaphore(%run_scoped3A : memref<!tpu.dma_semaphore, #tpu.memory_space<semaphore_mem>>) src(%dma_wait3A_37 : memref<632x128xf32, #tpu.memory_space<vmem_shared>>) dst(%dma_wait3A_35 : memref<632x128xf32, #tpu.memory_space<hbm>>)
      tpu.yield
    }) : () -> ()
    return
  }
}

module attributes {stable_mosaic.version = 14 : i64} {
  func.func @_tc_matmul_body(%arg0: i32, %arg1: memref<2x1000x128xf32, #tpu.memory_space<vmem>>, %arg2: memref<128x128xf32, #tpu.memory_space<vmem>>, %arg3: memref<1x128xf32, #tpu.memory_space<vmem>>, %arg4: memref<1000x128xf32, #tpu.memory_space<vmem>>) attributes {dimension_semantics = [#tpu.dimension_semantics<arbitrary>], iteration_bounds = array<i64: 10>, scalar_prefetch = 0 : i64, scratch_operands = 0 : i64, tpu.core_type = #tpu.core_type<tc>, window_params = [{transform_indices = @transform_0, window_bounds = array<i64: 2, 1000, 128>}, {pipeline_mode = #tpu.pipeline_mode<synchronous>, transform_indices = @transform_1, window_bounds = array<i64: 128, 128>}, {pipeline_mode = #tpu.pipeline_mode<synchronous>, transform_indices = @transform_2, window_bounds = array<i64: 1, 128>}, {transform_indices = @transform_3, window_bounds = array<i64: 1000, 128>}]} {
    %get3A = arith.constant 0 : index
    %get3A_0 = arith.constant 0 : index
    %get3A_1 = arith.constant 0 : index
    %get3A_2 = vector.load %arg1[%get3A, %get3A_0, %get3A_1] : memref<2x1000x128xf32, #tpu.memory_space<vmem>>, vector<1x1000x128xf32>
    %get3A_3 = vector.shape_cast %get3A_2 : vector<1x1000x128xf32> to vector<1000x128xf32>
    %get3A_4 = arith.constant 1 : index
    %get3A_5 = arith.constant 0 : index
    %get3A_6 = arith.constant 0 : index
    %get3A_7 = vector.load %arg1[%get3A_4, %get3A_5, %get3A_6] : memref<2x1000x128xf32, #tpu.memory_space<vmem>>, vector<1x1000x128xf32>
    %get3A_8 = vector.shape_cast %get3A_7 : vector<1x1000x128xf32> to vector<1000x128xf32>
    %add3A = arith.addf %get3A_3, %get3A_8 : vector<1000x128xf32>
    %get3A_9 = arith.constant 0 : index
    %get3A_10 = arith.constant 0 : index
    %get3A_11 = vector.load %arg2[%get3A_9, %get3A_10] : memref<128x128xf32, #tpu.memory_space<vmem>>, vector<128x128xf32>
    %dot_general3A = arith.constant dense<0.000000e+00> : vector<1000x128xf32>
    %dot_general3A_12 = tpu.matmul %add3A, %get3A_11, %dot_general3A {dimension_numbers = #tpu.dot_dimension_numbers<[1], [0], [0], [1], [0, 0, 1, 1], [], []>, transpose_lhs_hint = false} : vector<1000x128xf32>, vector<128x128xf32>, vector<1000x128xf32> -> vector<1000x128xf32>
    %get3A_13 = arith.constant 0 : index
    %get3A_14 = arith.constant 0 : index
    %get3A_15 = vector.load %arg3[%get3A_13, %get3A_14] : memref<1x128xf32, #tpu.memory_space<vmem>>, vector<1x128xf32>
    %add3A_16 = vector.broadcast %get3A_15 : vector<1x128xf32> to vector<1000x128xf32>
    %add3A_17 = arith.addf %dot_general3A_12, %add3A_16 : vector<1000x128xf32>
    %swap3A = arith.constant 0 : index
    %swap3A_18 = arith.constant 0 : index
    %swap3A_19 = vector.load %arg4[%swap3A, %swap3A_18] : memref<1000x128xf32, #tpu.memory_space<vmem>>, vector<1000x128xf32>
    tpu.vector_store %arg4[%swap3A, %swap3A_18], %add3A_17 {strides = array<i32>} : memref<1000x128xf32, #tpu.memory_space<vmem>>, vector<1000x128xf32>,
    return
  }
  func.func @transform_0(%arg0: i32) -> (i32, i32, i32) {
    %c0_i32 = arith.constant 0 : i32
    %c0_i32_0 = arith.constant 0 : i32
    %c0_i32_1 = arith.constant 0 : i32
    return %c0_i32, %arg0, %c0_i32_0 : i32, i32, i32
  }
  func.func @transform_1(%arg0: i32) -> (i32, i32) {
    %c0_i32 = arith.constant 0 : i32
    %c0_i32_0 = arith.constant 0 : i32
    %c0_i32_1 = arith.constant 0 : i32
    return %c0_i32, %c0_i32_0 : i32, i32
  }
  func.func @transform_2(%arg0: i32) -> (i32, i32) {
    %c0_i32 = arith.constant 0 : i32
    %c0_i32_0 = arith.constant 0 : i32
    %c0_i32_1 = arith.constant 0 : i32
    return %c0_i32, %c0_i32_0 : i32, i32
  }
  func.func @transform_3(%arg0: i32) -> (i32, i32) {
    %c0_i32 = arith.constant 0 : i32
    %c0_i32_0 = arith.constant 0 : i32
    return %arg0, %c0_i32 : i32, i32
  }
}

</mosaic_0001>

<sc_bundles>
// kernel: kernel.4.cloned.1.call-start
scs
__scs_entry_jumppad:
0x0: {  	(pc) =	sbr.rel $0x88, $3  }
0x1: {  	(tag) =	ssettag $0x0;
	lr =	simm.s32 $0x1  }
0x2: {  	[smem:$0x3F9D] =	sst lr;
	_ =	strace $0xD0000000  }
0x3: {  	_ = 	snop  }
0x4: {  	_ = 	snop  }
0x5: {  	_ = 	snop  }
0x6: {  	_ = 	snop  }
0x7: {  	_ = 	snop  }
__scs_overlays_trampoline_lowered:
0x8: {  	[smem:$0x3FAC] =	sst s0  }
0x9: {  	[smem:$0x3FAD] =	sst s1  }
0xa: {  	[smem:$0x3FAE] =	sst s2  }
0xb: {  	[smem:$0x3FAF] =	sst s3  }
0xc: {  	[smem:$0x3FB0] =	sst s4  }
0xd: {  	[smem:$0x3FB1] =	sst s5  }
0xe: {  	[smem:$0x3FB2] =	sst s6  }
0xf: {  	[smem:$0x3FB3] =	sst s7  }
0x10: {  	[smem:$0x3FB4] =	sst s8  }
0x11: {  	[smem:$0x3FB5] =	sst s9;
	s0 =	simm.s32 @!p0 $0x0  }
0x12: {  	s1 =	sld [smem:$0x3F9B];
	s0 =	simm.s32 @p0 $0x1  }
0x13: {  	[smem:$0x3FB6] =	sst s0;
	s0 =	simm.s32 @!p1 $0x0  }
0x14: {  	s2 =	sld [smem:$0x3F9A];
	s0 =	simm.s32 @p1 $0x1  }
0x15: {  	[smem:$0x3FB7] =	sst s0;
	s0 =	simm.s32 @!p2 $0x0  }
0x16: {  	s3 =	sld [smem:$0x3FDB];
	s0 =	simm.s32 @p2 $0x1  }
0x17: {  	s4 =	simm.s32 $0x1BF5;
	[smem:$0x3FB9] =	sst s0  }
0x18: {  	s0 =	sld [smem:$0x3F9C];
	_ =	swait.ge [sflag:s4], $0x0  }
0x19: {  	s7 =	sld [smem:$0x3F9D]  }
0x1a: {  	s8 =	sadd.s32 $0xFFFFE003, lr  }
0x1b: {  	s9 =	sadd.s32 $0xFFFFFEF7, lr;
	s5 =	simm.s32 $0xFFFFFFFF;
	p2 =	slt.u32 s8, $0xFFFFF086  }
0x1c: {  	p1 =	slt.u32 s9, $0xF7A;
	s5 =	simm.s32 @!p2 $0x0  }
0x1d: {  	s5 =	simm.s32 @p1 $0x1;
	p0 =	seq.s32 s7, s2  }
0x1e: {  	s7 =	smul.u32 @!p0 $0xF7A, s2;
	p2 =	seq.s32 @!p0 s5, $0x0  }
0x1f: {  	s9 =	smul.u32 $0xF7A, s1;
	s8 =	simm.s32 @!p0 $0x1BF5;
	p2 =	por !p2, p0  }
0x20: {  	[sflag:s8] =	ssyncset.s32 @!p0 $0xFFFFF086;
	s6 =	sadd.s32 @!p0 s3, s7;
	s7 =	simm.s32 @!p0 $0x108  }
0x21: {  	s3 =	sadd.s32 s3, s9;
	s6 =	sadd.s32 @!p0 $0x88, s6;
	s7 =	simm.s32 @p2 $0x1082  }
0x22: {  	[simem:s7], [sflag:s8] =	dma.local @!p0 [hbm:s6], $0xF7A  }
0x23: {  	s9 =	sor.u32 $0xD0000000, s2;
	s6 =	simm.s32 $0x108;
	_ =	swait.ge @!p0 [sflag:s8], $0x0  }
0x24: {  	s3 =	sadd.s32 $0x88, s3;
	s6 =	simm.s32 @!p1 $0x1082;
	[sflag:s4] =	ssyncset.s32 $0xFFFFF086  }
0x25: {  	[simem:s6], [sflag:s4] =	dma.local [hbm:s3], $0xF7A  }
0x26: {  	[smem:$0x3F9D] =	sst s1;
	(tag) =	ssettag s2;
	_ =	strace s9  }
0x27: {  	s1 =	sld [smem:$0x3FAD]  }
0x28: {  	s2 =	sld [smem:$0x3FAE]  }
0x29: {  	s4 =	sld [smem:$0x3FB0]  }
0x2a: {  	p0 =	seq.s32 s5, $0x0;
	s5 =	sld [smem:$0x3FB1]  }
0x2b: {  	s6 =	sld [smem:$0x3FB2]  }
0x2c: {  	s7 =	sld [smem:$0x3FB3]  }
0x2d: {  	s3 =	simm.s32 $0x108;
	s8 =	sld [smem:$0x3FB4]  }
0x2e: {  	s3 =	simm.s32 @!p0 $0x1082;
	s9 =	sld [smem:$0x3FB5]  }
0x2f: {  	lr =	sadd.s32 s0, s3;
	s0 =	sld [smem:$0x3FAC]  }
0x30: {  	s3 =	sld [smem:$0x3FAF]  }
0x31: {  	[smem:$0x3FB8] =	sst s10  }
0x32: {  	s10 =	sld [smem:$0x3FB6];
	_ =	sdelay $0x3  }
0x33: {  	p0 =	seq.s32 s10, $0x1;
	s10 =	sld [smem:$0x3FB8];
	_ =	sdelay $0x3  }
0x34: {  	[smem:$0x3FB8] =	sst s10  }
0x35: {  	s10 =	sld [smem:$0x3FB7];
	_ =	sdelay $0x3  }
0x36: {  	p1 =	seq.s32 s10, $0x1;
	s10 =	sld [smem:$0x3FB8];
	_ =	sdelay $0x3  }
0x37: {  	[smem:$0x3FB8] =	sst s10  }
0x38: {  	s10 =	sld [smem:$0x3FB9]  }
0x39: {  	_ = 	snop;
	(pc) =	sbr.ind lr, $3  }
0x3a: {  	_ = 	snop  }
0x3b: {  	_ = 	snop  }
0x3c: {  	p2 =	seq.s32 s10, $0x1;
	s10 =	sld [smem:$0x3FB8]  }
0x3d: {  	_ =	shalt  }
0x3e: {  	_ =	shalt  }
0x3f: {  	_ =	shalt  }
0x40: {  	_ =	shalt  }
0x41: {  	_ =	shalt  }
0x42: {  	_ =	shalt  }
0x43: {  	_ =	shalt  }
0x44: {  	_ =	shalt  }
0x45: {  	_ =	shalt  }
0x46: {  	_ =	shalt  }
0x47: {  	_ =	shalt  }
0x48: {  	_ =	shalt  }
0x49: {  	_ =	shalt  }
0x4a: {  	_ =	shalt  }
0x4b: {  	_ =	shalt  }
0x4c: {  	_ =	shalt  }
0x4d: {  	_ =	shalt  }
0x4e: {  	_ =	shalt  }
0x4f: {  	_ =	shalt  }
0x50: {  	_ =	shalt  }
0x51: {  	_ =	shalt  }
0x52: {  	_ =	shalt  }
0x53: {  	_ =	shalt  }
0x54: {  	_ =	shalt  }
0x55: {  	_ =	shalt  }
0x56: {  	_ =	shalt  }
0x57: {  	_ =	shalt  }
0x58: {  	_ =	shalt  }
0x59: {  	_ =	shalt  }
0x5a: {  	_ =	shalt  }
0x5b: {  	_ =	shalt  }
0x5c: {  	_ =	shalt  }
0x5d: {  	_ =	shalt  }
0x5e: {  	_ =	shalt  }
0x5f: {  	_ =	shalt  }
0x60: {  	_ =	shalt  }
0x61: {  	_ =	shalt  }
0x62: {  	_ =	shalt  }
0x63: {  	_ =	shalt  }
0x64: {  	_ =	shalt  }
0x65: {  	_ =	shalt  }
0x66: {  	_ =	shalt  }
0x67: {  	_ =	shalt  }
0x68: {  	_ =	shalt  }
0x69: {  	_ =	shalt  }
0x6a: {  	_ =	shalt  }
0x6b: {  	_ =	shalt  }
0x6c: {  	_ =	shalt  }
0x6d: {  	_ =	shalt  }
0x6e: {  	_ =	shalt  }
0x6f: {  	_ =	shalt  }
0x70: {  	_ =	shalt  }
0x71: {  	_ =	shalt  }
0x72: {  	_ =	shalt  }
0x73: {  	_ =	shalt  }
0x74: {  	_ =	shalt  }
0x75: {  	_ =	shalt  }
0x76: {  	_ =	shalt  }
0x77: {  	_ =	shalt  }
0x78: {  	_ =	shalt  }
0x79: {  	_ =	shalt  }
0x7a: {  	_ =	shalt  }
0x7b: {  	_ =	shalt  }
0x7c: {  	_ =	shalt  }
0x7d: {  	_ =	shalt  }
0x7e: {  	_ =	shalt  }
0x7f: {  	_ =	shalt  }
0x80: {  	_ =	shalt  }
0x81: {  	_ =	shalt  }
0x82: {  	_ =	shalt  }
0x83: {  	_ =	shalt  }
0x84: {  	_ =	shalt  }
0x85: {  	_ =	shalt  }
0x86: {  	_ =	shalt  }
0x87: {  	_ =	shalt  }
.Lfunc_end0:
.L_simem_size_0:
called_computation_lowered:
.L_overlay_start_0:
0x88: {  	s2 =	sld [smem:$0x3FD9]  }
0x89: {  	s3 =	sld [smem:$0x3FFE];
	_ =	sdelay $0x1  }
0x8a: {  	s1 =	srdreg.scid  }
0x8b: {  	s0 =	sand.u32 $0x1, s1  }
0x8c: {  	s17 =	sshll.u32 s0, $0xA;
	s2 =	sadd.s32 s3, s2  }
0x8d: {  	s2 =	sadd.s32 s2, s17  }
0x8e: {  	[smem:$0x3FC4] =	sst s2  }
0x8f: {  	_ = 	snop  }
0x90: {  	s2 =	sld [smem:$0x3FC9]  }
0x91: {  	s18 =	sld [smem:$0x3FD0];
	(tm) =	ssettm $0x1  }
0x92: {  	s4 =	sld [smem:$0x3FFB];
	_ =	sdelay $0x3  }
0x93: {  	_ =	strace s4  }
0x94: {  	s4 =	sld [smem:$0x3FFC];
	_ =	sdelay $0x3  }
0x95: {  	_ =	strace s4  }
0x96: {  	s4 =	sld [smem:$0x3FFD];
	_ =	sdelay $0x3  }
0x97: {  	_ =	strace s4  }
0x98: {  	_ =	strace $0x8FFFFFFF  }
0x99: {  	s19 =	sld [smem:$0x3FDB];
	_ =	sdelay $0x1  }
0x9a: {  	s5 =	simm.s32 $_scs_section_size  }
0x9b: {  	s6 =	simm.s32 $_size__tile_overlayer_lowered;
	s7 =	simm.s32 $_tile_overlayer_lowered  }
0x9c: {  	s22 =	simm.s32 $0x1BFF;
	s21 =	sshll.u32 s7, $0x1;
	s4 =	sadd.s32 s5, s19  }
0x9d: {  	s8 =	simm.s32 $0x0;
	s20 =	sshll.u32 s6, $0x1;
	s6 =	sadd.s32 s21, s4  }
0x9e: {  	[timem:s8], [sflag:s22] =	dma.local [hbm:s6], s20  }
0x9f: {  	_ =	swait.ge [sflag:s22], s20  }
0xa0: {  	s5 =	ssub.s32 $0x0, s20;
	[sflag:s22] =	ssyncset.done $0x0  }
0xa1: {  	[sflag:s22] =	ssyncadd.s32 s5;
	_ =	sdelay $0x1  }
0xa2: {  	s23 =	simm.s32 $0x1B8B  }
0xa3: {  	_ =	swait.ge [sflag:s23], $0x1  }
0xa4: {  	[sflag:s23] =	ssyncset.done $0x0  }
0xa5: {  	s25 =	simm.s32 $0x1B8E;
	s24 =	sld [smem:$0x3FFE];
	[sflag:s23] =	ssyncadd.s32 $0xFFFFFFFF  }
0xa6: {  	s26 =	simm.s32 $execute0_lowered;
	[smem:$0x3FD2] =	sst s25  }
0xa7: {  	s6 =	sshll.u32 s26, $0x1;
	_ =	strace $0x80000046;
	[dreg:$0x1] =	wrdreg $0xFFFFFFFF  }
0xa8: {  	s28 =	simm.s32 $_size_execute0_lowered;
	s4 =	sadd.s32 s4, s6;
	[dreg:$0x0] =	wrdreg $0x0  }
0xa9: {  	s6 =	sshll.u32 s28, $0x1;
	[dreg:$0x2] =	wrdreg s4  }
0xaa: {  	[dreg:$0x3] =	wrdreg s6  }
0xab: {  	[dreg:$0x4] =	wrdreg $0xC0  }
0xac: {  	_ =	task [dreg:s8], $0x5FFFF  }
0xad: {  	[dreg:$0x1] =	wrdreg $0xFFFFFFFF  }
0xae: {  	[dreg:$0x0] =	wrdreg $0x60  }
0xaf: {  	[dreg:$0x2] =	wrdreg s2  }
0xb0: {  	[dreg:$0x3] =	wrdreg s24  }
0xb1: {  	[dreg:$0x4] =	wrdreg s18  }
0xb2: {  	[dreg:$0x5] =	wrdreg $0x0  }
0xb3: {  	[dreg:$0x6] =	wrdreg $0x9  }
0xb4: {  	_ =	task.clear_ibuf [dreg:s8], $0x7FFFF;
	_ =	strace $0x90000046  }
0xb5: {  	s29 =	simm.s32 $0x9;
	_ =	strace $0x80000048  }
0xb6: {  	_ =	swait.ge [sflag:s29], $0x1  }
0xb7: {  	[sflag:s29] =	ssyncadd.s32 $0xFFFFFFFF  }
0xb8: {  	_ =	strace $0x90000048  }
0xb9: {  	_ =	sfence  }
0xba: {  	s30 =	sld [smem:$0x0];
	_ =	sdelay $0x2  }
0xbb: {  	s31 =	sshll.u32 s1, $0xD;
	s1 =	sshrl.u32 s1, $0x2  }
0xbc: {  	s3 =	sand.u32 $0x4000, s31;
	s1 =	sadd.s32 s1, s30  }
0xbd: {  	s0 =	sor.u32 s3, s0;
	s1 =	sshll.u32 s1, $0x11  }
0xbe: {  	s0 =	sor.u32 s1, s0  }
0xbf: {  	s0 =	sadd.s32 $0x8F2B, s0  }
0xc0: {  	[sflag:s0] =	ssyncadd.remote.s32 $0x1  }
0xc1: {  	_ =	sfence.sel $0xFFFF  }
0xc2: {  	[dreg:$0x0] =	wrdreg $0xFFFFFFFF;
	(pc) =	sbr.abs _section_cstart, $3  }
0xc3: {  	[dreg:$0x1] =	wrdreg $0xFFFFFFFF  }
0xc4: {  	_ =	task.clear_ibuf [dreg:s8], $0x2FFFF;
	_ =	strace $0x9FFFFFFF  }
0xc5: {  	(tm) =	ssettm $0x7FFFFFFF  }
tec
execute0_lowered:
.L_overlay_start_1:
0x0: {  	(tag) =	ssettag $0x1  }
0x1: {  	s1 =	rddreg [dreg:$0x0]  }
0x2: {  	s6 =	rddreg [dreg:$0x1]  }
0x3: {  	s0 =	srdreg.scid;
	s11 =	rddreg [dreg:$0x2]  }
0x4: {  	s3 =	rddreg [dreg:$0x3];
	s4 =	simm.s32 $0x0;
	s15 =	simm.s32 $0x2  }
0x5: {  	s16 =	simm.s32 $0x13C00;
	s17 =	simm.s32 $0x16400;
	s5 =	sand.u32 $0x1, s0  }
0x6: {  	s18 =	simm.s32 $0x80;
	s0 =	stileid.u32;
	s7 =	smul.u32 $0x13C000, s5  }
0x7: {  	s19 =	simm.s32 $0x1;
	[smem:$0x7FF] =	sst s4;
	s8 =	smul.u32 $0x13C00, s0  }
0x8: {  	s2 =	sshll.u32 s5, $0x4;
	s9 =	smul.u32 $0x4F000, s0;
	s29 =	ssub.s32 $0x2, s5  }
0x9: {  	s20 =	sshll.u32 s0, $0x6;
	s2 =	sor.u32 s0, s2;
	s31 =	sshrl.u32 s29, $0x1  }
0xa: {  	s20 =	sor.u32 $0x1C02, s20;
	s12 =	smul.u32 $0x500, s2;
	s2 =	rddreg [dreg:$0x4]  }
0xb: {  	_ =	strace $0x80000047;
	s7 =	sadd.s32 s8, s7;
	s30 =	sshrl.u32 s9, $0x2  }
0xc: {  	s14 =	ssub.s32 s29, s31;
	s7 =	sshrl.u32 s7, $0x3;
	s5 =	sadd.s32 s30, s3  }
0xd: {  	s10 =	sadd.s32 s12, s6;
	s13 =	sadd.s32 s7, s6;
	s6 =	sadd.s32 $0x4000, s5  }
0xe: {  	s7 =	sadd.s32 $0x8000, s5;
	s8 =	sadd.s32 $0xC000, s5;
	s9 =	sadd.s32 $0x10000, s5  }
0xf: {  	s11 =	sadd.s32 s11, s12;
	s21 =	sshrl.u32 s5, $0x3;
	s10 =	sadd.s32 $0x400, s10  }
0x10: {  	v0 =	vimm.f32 $0.0e+00;
	s12 =	sadd.s32 $0xA400, s13;
	s13 =	smax.u32 s14, $0x1;
	s14 =	simm.s32 $0x18C00  }
.LBB2_1:
0x11: {  	s22 =	simm.s32 $0x0;
	s23 =	simm.s32 $0x200  }
.LBB2_2:
0x12: {  	p0 =	sne.s32 s23, $0xFE00;
	[tilespmem:s22+$0x18C70] =	vst v0  }
0x13: {  	[tilespmem:s22+$0x18C00] =	vst v0  }
0x14: {  	[tilespmem:s22+$0x18C10] =	vst v0  }
.Ltmp0:
0x15: {  	[tilespmem:s22+$0x18C20] =	vst v0;
	(pc) =	sbr.rel @p0 .LBB2_2-.Ltmp0, $4  }
0x16: {  	[tilespmem:s22+$0x18C30] =	vst v0  }
0x17: {  	[tilespmem:s22+$0x18C40] =	vst v0  }
0x18: {  	[tilespmem:s22+$0x18C50] =	vst v0  }
0x19: {  	[tilespmem:s22+$0x18C60] =	vst v0;
	s22 =	sshra.s32 s23, $0x2;
	s23 =	sadd.s32 $0x200, s23  }
0x1a: {  	[tilespmem:s22+$0x18C70] =	vst v0  }
0x1b: {  	[tilespmem:s22+$0x18C00] =	vst v0  }
0x1c: {  	[tilespmem:s22+$0x18C10] =	vst v0  }
0x1d: {  	[tilespmem:s22+$0x18C20] =	vst v0  }
0x1e: {  	[tilespmem:s22+$0x18C30] =	vst v0  }
0x1f: {  	[tilespmem:s22+$0x18C40] =	vst v0  }
0x20: {  	[tilespmem:s22+$0x18C50] =	vst v0  }
0x21: {  	[tilespmem:s22+$0x18C60] =	vst v0  }
0x22: {  	[spmem:s5] =	stream.linear.scatter [tilespmem:s14], [sflag:$0x2], $0x4000, $0x38;
	[tilespmem:$0x1CC00] =	vst v63  }
0x23: {  	_ =	swait.ge [sflag:s15], $0x4000  }
0x24: {  	[sflag:s15] =	ssyncset.done $0x0  }
0x25: {  	[sflag:s15] =	ssyncadd.s32 $0xFFFFC000  }
0x26: {  	[spmem:s6] =	stream.linear.scatter [tilespmem:s14], [sflag:$0x2], $0x4000, $0x38;
	[tilespmem:$0x1CC00] =	vst v63  }
0x27: {  	_ =	swait.ge [sflag:s15], $0x4000  }
0x28: {  	[sflag:s15] =	ssyncset.done $0x0  }
0x29: {  	[sflag:s15] =	ssyncadd.s32 $0xFFFFC000  }
0x2a: {  	[spmem:s7] =	stream.linear.scatter [tilespmem:s14], [sflag:$0x2], $0x4000, $0x38;
	[tilespmem:$0x1CC00] =	vst v63  }
0x2b: {  	_ =	swait.ge [sflag:s15], $0x4000  }
0x2c: {  	[sflag:s15] =	ssyncset.done $0x0  }
0x2d: {  	[sflag:s15] =	ssyncadd.s32 $0xFFFFC000  }
0x2e: {  	[spmem:s8] =	stream.linear.scatter [tilespmem:s14], [sflag:$0x2], $0x4000, $0x38;
	[tilespmem:$0x1CC00] =	vst v63  }
0x2f: {  	_ =	swait.ge [sflag:s15], $0x4000  }
0x30: {  	[sflag:s15] =	ssyncset.done $0x0  }
0x31: {  	[sflag:s15] =	ssyncadd.s32 $0xFFFFC000  }
0x32: {  	[spmem:s9] =	stream.linear.scatter [tilespmem:s14], [sflag:$0x2], $0x3C00, $0x38;
	[tilespmem:$0x1CC00] =	vst v63  }
0x33: {  	_ =	swait.ge [sflag:s15], $0x3C00  }
0x34: {  	[sflag:s15] =	ssyncset.done $0x0  }
0x35: {  	[sflag:s15] =	ssyncadd.s32 $0xFFFFC400  }
0x36: {  	s29 =	simm.s32 $0x0;
	[bflag:$0x0] =	sbarrier.arrive $0xFFFF  }
0x37: {  	[tilespmem:s16], [sflag:$0x2] =	stream.linear.gather [hbm4b:s10+s29], $0x2800, $0x38;
	[tilespmem:$0x1CC00] =	vst v63  }
0x38: {  	_ =	swait.ge [sflag:s15], $0x2800  }
0x39: {  	[sflag:s15] =	ssyncset.done $0x0  }
0x3a: {  	[sflag:s15] =	ssyncadd.s32 $0xFFFFD800  }
0x3b: {  	[tilespmem:s17], [sflag:$0x2] =	stream.linear.gather [hbm4b:s11+s29], $0x2800, $0x38;
	[tilespmem:$0x1CC00] =	vst v63  }
0x3c: {  	_ =	swait.ge [sflag:s15], $0x2800  }
0x3d: {  	[sflag:s15] =	ssyncset.done $0x0  }
0x3e: {  	s30 =	simm.s32 $0x13C00;
	[sflag:s15] =	ssyncadd.s32 $0xFFFFD800  }
0x3f: {  	[tilespmem:s14], [sflag:$0x1] =	stream.indirect.gather [hbm4b:s1+s18], $0x80, s30, s18, $0xb8;
	[tilespmem:$0x1CC00] =	vst v63  }
0x40: {  	_ =	swait.ge [sflag:s19], $0x4000  }
0x41: {  	[sflag:s19] =	ssyncset.done $0x0  }
0x42: {  	s31 =	simm.s32 $0x16400;
	[sflag:s19] =	ssyncadd.s32 $0xFFFFC000  }
0x43: {  	[spmem:s3] =	stream.indirect.scatter.add.f32 [tilespmem:s14], [sflag:$0x2], $0x80, s31, s18, $0xb8;
	[tilespmem:$0x1CC00] =	vst v63  }
0x44: {  	_ =	swait.ge [sflag:s15], $0x4000  }
0x45: {  	s23 =	simm.s32 $0x400;
	s22 =	simm.s32 $0x80;
	[sflag:s15] =	ssyncset.done $0x0  }
.LBB2_4:
0x46: {  	s24 =	sadd.s32 $0x13C00, s22  }
0x47: {  	[sflag:s15] =	ssyncadd.s32 $0xFFFFC000;
	s25 =	smov.u32 s23;
	s26 =	sadd.s32 $0x200, s23  }
0x48: {  	[tilespmem:s14], [sflag:$0x1] =	stream.indirect.gather [hbm4b:s1+s18], $0x80, s24, s18, $0xb8;
	[tilespmem:$0x1CC00] =	vst v63  }
0x49: {  	p0 =	sne.s32 s23, $0x9E00;
	_ =	swait.ge [sflag:s19], $0x4000  }
.Ltmp1:
0x4a: {  	[sflag:s19] =	ssyncset.done $0x0;
	(pc) =	sbr.rel @p0 .LBB2_4-.Ltmp1, $4  }
0x4b: {  	s22 =	sadd.s32 $0x16400, s22;
	[sflag:s19] =	ssyncadd.s32 $0xFFFFC000  }
0x4c: {  	[spmem:s3] =	stream.indirect.scatter.add.f32 [tilespmem:s14], [sflag:$0x2], $0x80, s22, s18, $0xb8;
	[tilespmem:$0x1CC00] =	vst v63  }
0x4d: {  	_ =	swait.ge [sflag:s15], $0x4000  }
0x4e: {  	s23 =	smov.u32 s26;
	s22 =	sshra.s32 s25, $0x2;
	[sflag:s15] =	ssyncset.done $0x0  }
0x4f: {  	s23 =	sadd.s32 $0x13C00, s22;
	[sflag:s15] =	ssyncadd.s32 $0xFFFFC000  }
0x50: {  	[tilespmem:s14], [sflag:$0x1] =	stream.indirect.gather [hbm4b:s1+s18], $0x80, s23, s18, $0xb8;
	[tilespmem:$0x1CC00] =	vst v63  }
0x51: {  	_ =	swait.ge [sflag:s19], $0x4000  }
0x52: {  	[sflag:s19] =	ssyncset.done $0x0  }
0x53: {  	s31 =	sadd.s32 $0x16400, s22;
	[sflag:s19] =	ssyncadd.s32 $0xFFFFC000  }
0x54: {  	[spmem:s3] =	stream.indirect.scatter.add.f32 [tilespmem:s14], [sflag:$0x2], $0x80, s31, s18, $0xb8;
	[tilespmem:$0x1CC00] =	vst v63  }
0x55: {  	_ =	swait.ge [sflag:s15], $0x4000  }
0x56: {  	s4 =	sadd.s32 $0x1, s4;
	[sflag:s15] =	ssyncset.done $0x0  }
0x57: {  	p0 =	sne.s32 s4, s13;
	[sflag:s15] =	ssyncadd.s32 $0xFFFFC000  }
.Ltmp2:
0x58: {  	[bflag:$0x0] =	sbarrier.arrive $0xFFFF;
	(pc) =	sbr.rel @p0 .LBB2_1-.Ltmp2, $4  }
0x59: {  	[hbm:s12], [sflag:s20] =	dma.local [spmem:s21], $0x2780  }
0x5a: {  	_ =	swait.ge [sflag:s15], $0x2780  }
0x5b: {  	[sflag:s15] =	ssyncset.done $0x0  }
0x5c: {  	[sflag:s15] =	ssyncadd.s32 $0xFFFFD880  }
0x5d: {  	_ =	sfence.sel $0x180000  }
0x5e: {  	[bflag:$0x0] =	sbarrier.arrive $0xFFFF  }
0x5f: {  	p0 =	sne.s32 s0, $0x0;
	_ =	strace $0x90000047  }
0x60: {  	s0 =	sadd.s32 @!p0 $0x100000, s2;
	[bflag:$0x2] =	sbarrier.arrive $0xFFFF  }
0x61: {  	[sflag:s0] =	ssyncadd.tile.s32 @!p0 $0x1;
	_ =	shalt  }
.Lfunc_end2:
_tile_overlayer_lowered:
.L_overlay_start_2:
0x62: {  	(tag) =	ssettag $0x2  }
0x63: {  	s0 =	rddreg [dreg:$0x0];
	s2 =	stileid.u32  }
0x64: {  	s1 =	rddreg [dreg:$0x1];
	p0 =	sne.s32 s2, $0x0  }
0x65: {  	s3 =	rddreg [dreg:$0x2];
	[bflag:$0x3] =	sbarrier.arrive $0xFFFF;
	s2 =	simm.s32 @!p0 $0x1C02  }
0x66: {  	[timem:s3], [sflag:s2] =	dma.local @!p0 [hbm:s0], s1  }
0x67: {  	s0 =	simm.s32 @!p0 $0x2  }
0x68: {  	_ =	swait.ge @!p0 [sflag:s0], s1  }
0x69: {  	s1 =	ssub.s32 @!p0 $0x0, s1;
	[sflag:s0] =	ssyncset.done @!p0 $0x0  }
0x6a: {  	[sflag:s0] =	ssyncadd.s32 @!p0 s1  }
0x6b: {  	[bflag:$0x3] =	sbarrier.arrive $0xFFFF  }
0x6c: {  	_ =	shalt  }

</sc_bundles>
